<compile_context>
chip_gen: v7x
topology: tpu7x:2x2x1
jax: 0.10.2.dev20260603
libtpu: 0.0.44.dev20260713+nightly
codegen_flags: <defaults>
</compile_context>

<pallas_src>
import jax
import jax.numpy as jnp
from jax import lax
from jax.experimental import pallas as pl
from jax.experimental.pallas import tpu as pltpu
from jax.experimental.pallas import tpu_sc as plsc

N = 100000
F = 26
K = 16
BATCH = 4096
D = F * K
TOTAL = BATCH * F

NC = 2
NS = 16
NW = NC * NS
PER_W = TOTAL // NW
CHUNK = 128
NCHUNK = PER_W // CHUNK


def _gather_body(table_hbm, idx_hbm, out_hbm,
                 idx_v, buf0, buf1, gsem0, gsem1, ssem0, ssem1):
    wid = lax.axis_index("s") * NC + lax.axis_index("c")
    base = wid * PER_W
    pltpu.sync_copy(idx_hbm.at[wid], idx_v)

    bufs = (buf0, buf1)
    gsems = (gsem0, gsem1)
    ssems = (ssem0, ssem1)

    def wait_store(b):
        pltpu.make_async_copy(
            bufs[b], out_hbm.at[pl.ds(base, CHUNK)], ssems[b]).wait()

    def wait_gather(b):
        pltpu.make_async_copy(
            table_hbm.at[idx_v.at[0]], bufs[b], gsems[b]).wait()

    pltpu.async_copy(table_hbm.at[idx_v.at[0]], buf0, gsem0)

    @pl.loop(0, NCHUNK, step=2)
    def _(g):
        for b in range(2):
            c = g + b
            nb = 1 - b
            cn = c + 1

            @pl.when(cn < NCHUNK)
            def _():
                @pl.when(cn >= 2)
                def _():
                    wait_store(nb)
                pltpu.async_copy(table_hbm.at[idx_v.at[cn]], bufs[nb],
                                 gsems[nb])

            wait_gather(b)
            pltpu.async_copy(
                bufs[b], out_hbm.at[pl.ds(base + c * CHUNK, CHUNK)], ssems[b])

    wait_store(0)
    wait_store(1)


@jax.jit
def _embedding3d(idx3, table):
    mesh = plsc.VectorSubcoreMesh(core_axis_name="c", subcore_axis_name="s")
    k = pl.kernel(
        _gather_body,
        out_type=jax.ShapeDtypeStruct((TOTAL, F, K), jnp.float32),
        mesh=mesh,
        compiler_params=pltpu.CompilerParams(use_tc_tiling_on_sc=False),
        scratch_types=[
            pltpu.VMEM((NCHUNK, CHUNK), jnp.int32),
            pltpu.VMEM((CHUNK, F, K), jnp.float32),
            pltpu.VMEM((CHUNK, F, K), jnp.float32),
            pltpu.SemaphoreType.DMA,
            pltpu.SemaphoreType.DMA,
            pltpu.SemaphoreType.DMA,
            pltpu.SemaphoreType.DMA,
        ],
    )
    return k(table, idx3)


def kernel(input, weight):
    idx3 = input.reshape(-1).astype(jnp.int32).reshape(NW, NCHUNK, CHUNK)
    out = _embedding3d(idx3, weight)
    return out.reshape(BATCH, F, F, K)

# --- scband reference (transcript-rebuilt; emitter-appended) ---
"""Pipeline reference for scband-embedding3-d-14276471292830 (READ-ONLY COPY).

The authoritative reference and input builder live on the scoring server;
editing this copy changes nothing except your own understanding.
"""

import jax, jax.numpy as jnp
import numpy as np

N = 100000
F = 26
K = 16
BATCH = 4096

def setup_inputs(seed: int = 0) -> dict:
    key = jax.random.key(seed)
    k_idx, k_w = jax.random.split(key)
    input_idx = jax.random.randint(k_idx, (BATCH, F), 0, N, dtype=jnp.int64)
    weight = jax.random.normal(k_w, (N, F, K), dtype=jnp.float32)
    return {"input": input_idx, "weight": weight}

def reference(input, weight):
    # Faithful translation of Embedding3D.forward:
    #   input = input.view(-1)
    #   torch.index_select(self.weight, 0, input).view(-1, f, f, k)
    flat = input.reshape(-1)
    gathered = jnp.take(weight, flat, axis=0)  # [B*F, F, K]
    out = gathered.reshape(-1, F, F, K)        # [B, F, F, K]
    return out

if __name__ == "__main__":
    import jax
    _d = setup_inputs()
    print(jax.jit(kernel)(*tuple(_d.values())))

</pallas_src>

<mosaic_0001>
#map = affine_map<(d0, d1) -> (0, 0, 0)>
module attributes {stable_mosaic.version = 14 : i64} {
  func.func @_gather_body(%arg0: i32, %arg1: i32, %arg2: memref<100000x26x16xf32, #tpu.memory_space<hbm>>, %arg3: memref<32x26x128xi32, #tpu.memory_space<hbm>>, %arg4: memref<106496x26x16xf32, #tpu.memory_space<hbm>>, %arg5: memref<26x128xi32, #tpu.memory_space<vmem>>, %arg6: memref<128x26x16xf32, #tpu.memory_space<vmem>>, %arg7: memref<128x26x16xf32, #tpu.memory_space<vmem>>, %arg8: memref<!tpu.dma_semaphore, #tpu.memory_space<semaphore_mem>>, %arg9: memref<!tpu.dma_semaphore, #tpu.memory_space<semaphore_mem>>, %arg10: memref<!tpu.dma_semaphore, #tpu.memory_space<semaphore_mem>>, %arg11: memref<!tpu.dma_semaphore, #tpu.memory_space<semaphore_mem>>) attributes {dimension_semantics = [#tpu.dimension_semantics<core_parallel>, #tpu.dimension_semantics<subcore_parallel>], iteration_bounds = array<i64: 2, 16>, scalar_prefetch = 0 : i64, scratch_operands = 7 : i64, tpu.core_type = #tpu.core_type<sc_vector_subcore>, window_params = [{transform_indices = #map}, {transform_indices = #map}, {transform_indices = #map}]} {
    %mul3A = arith.constant 2 : i32
    %mul3A_0 = arith.muli %arg1, %mul3A : i32
    %add3A = arith.addi %mul3A_0, %arg0 : i32
    %mul3A_1 = arith.constant 3328 : i32
    %mul3A_2 = arith.muli %add3A, %mul3A_1 : i32
    "tpu.region"() ({
      %run_scoped3A = tpu.sem_alloc : memref<!tpu.dma_semaphore, #tpu.memory_space<semaphore_mem>>
      %dma_start3A_25 = arith.constant 0 : i32
      %dma_start3A_26 = arith.constant 0 : i32
      %dma_start3A_27 = tpu.memref_slice %arg3[%add3A, %dma_start3A_25, %dma_start3A_26] : memref<32x26x128xi32, #tpu.memory_space<hbm>> -> memref<1x26x128xi32, #tpu.memory_space<hbm>>
      %dma_start3A_28 = tpu.memref_squeeze %dma_start3A_27 : memref<1x26x128xi32, #tpu.memory_space<hbm>> -> memref<26x128xi32, #tpu.memory_space<hbm>>
      %dma_start3A_29 = arith.constant 0 : i32
      %dma_start3A_30 = arith.constant 0 : i32
      %dma_start3A_31 = tpu.memref_slice %arg3[%add3A, %dma_start3A_29, %dma_start3A_30] : memref<32x26x128xi32, #tpu.memory_space<hbm>> -> memref<1x26x128xi32, #tpu.memory_space<hbm>>
      %dma_start3A_32 = tpu.memref_squeeze %dma_start3A_31 : memref<1x26x128xi32, #tpu.memory_space<hbm>> -> memref<26x128xi32, #tpu.memory_space<hbm>>
      tpu.enqueue_dma source(%dma_start3A_32 : memref<26x128xi32, #tpu.memory_space<hbm>>) target(%arg5 : memref<26x128xi32, #tpu.memory_space<vmem>>) target_semaphore(%run_scoped3A : memref<!tpu.dma_semaphore, #tpu.memory_space<semaphore_mem>>)
      %dma_wait3A_33 = arith.constant 0 : i32
      %dma_wait3A_34 = arith.constant 0 : i32
      %dma_wait3A_35 = tpu.memref_slice %arg3[%add3A, %dma_wait3A_33, %dma_wait3A_34] : memref<32x26x128xi32, #tpu.memory_space<hbm>> -> memref<1x26x128xi32, #tpu.memory_space<hbm>>
      %dma_wait3A_36 = tpu.memref_squeeze %dma_wait3A_35 : memref<1x26x128xi32, #tpu.memory_space<hbm>> -> memref<26x128xi32, #tpu.memory_space<hbm>>
      %dma_wait3A_37 = arith.constant 0 : i32
      %dma_wait3A_38 = arith.constant 0 : i32
      %dma_wait3A_39 = tpu.memref_slice %arg3[%add3A, %dma_wait3A_37, %dma_wait3A_38] : memref<32x26x128xi32, #tpu.memory_space<hbm>> -> memref<1x26x128xi32, #tpu.memory_space<hbm>>
      %dma_wait3A_40 = tpu.memref_squeeze %dma_wait3A_39 : memref<1x26x128xi32, #tpu.memory_space<hbm>> -> memref<26x128xi32, #tpu.memory_space<hbm>>
      tpu.wait_dma2 semaphore(%run_scoped3A : memref<!tpu.dma_semaphore, #tpu.memory_space<semaphore_mem>>) src(%dma_wait3A_40 : memref<26x128xi32, #tpu.memory_space<hbm>>) dst(%arg5 : memref<26x128xi32, #tpu.memory_space<vmem>>)
      tpu.yield
    }) : () -> ()
    %dma_start3A = arith.constant 0 : i32
    %dma_start3A_3 = arith.constant 0 : i32
    %dma_start3A_4 = tpu.memref_slice %arg5[%dma_start3A, %dma_start3A_3] : memref<26x128xi32, #tpu.memory_space<vmem>> -> memref<1x128xi32, #tpu.memory_space<vmem>>
    %dma_start3A_5 = tpu.memref_squeeze %dma_start3A_4 : memref<1x128xi32, #tpu.memory_space<vmem>> -> memref<128xi32, #tpu.memory_space<vmem>>
    %dma_start3A_6 = arith.constant 0 : i32
    %dma_start3A_7 = arith.constant 0 : i32
    %dma_start3A_8 = arith.constant 0 : i32
    %dma_start3A_9 = tpu.memref_slice %arg2[%dma_start3A_6, %dma_start3A_7, %dma_start3A_8] : memref<100000x26x16xf32, #tpu.memory_space<hbm>> -> memref<100000x26x16xf32, #tpu.memory_space<hbm>>
    tpu.enqueue_indirect_dma source(%dma_start3A_9 : memref<100000x26x16xf32, #tpu.memory_space<hbm>>) target(%arg6 : memref<128x26x16xf32, #tpu.memory_space<vmem>>) offsets(%dma_start3A_5 : memref<128xi32, #tpu.memory_space<vmem>>) semaphore(%arg8 : memref<!tpu.dma_semaphore, #tpu.memory_space<semaphore_mem>>)
    %scan3A = arith.constant 0 : i32
    %scan3A_10 = arith.constant 13 : i32
    %scan3A_11 = arith.addi %scan3A, %scan3A_10 : i32
    %scan3A_12 = arith.constant 1 : i32
    scf.for %scan3A_25 = %scan3A to %scan3A_11 step %scan3A_12  : i32 {
      %mul3A_26 = arith.constant 2 : i32
      %mul3A_27 = arith.muli %scan3A_25, %mul3A_26 : i32
      %add3A_28 = arith.constant 0 : i32
      %add3A_29 = arith.addi %add3A_28, %mul3A_27 : i32
      %add3A_30 = arith.constant 0 : i32
      %add3A_31 = arith.addi %add3A_29, %add3A_30 : i32
      %add3A_32 = arith.constant 1 : i32
      %add3A_33 = arith.addi %add3A_31, %add3A_32 : i32
      %lt3A = arith.constant 26 : i32
      %lt3A_34 = arith.cmpi slt, %add3A_33, %lt3A : i32
      %convert_element_type3A = arith.extui %lt3A_34 : i1 to i32
      %cond3A = arith.constant 0 : i32
      %cond3A_35 = arith.cmpi ne, %convert_element_type3A, %cond3A : i32
      scf.if %cond3A_35 {
        %ge3A = arith.constant 2 : i32
        %ge3A_79 = arith.cmpi sge, %add3A_33, %ge3A : i32
        %convert_element_type3A_80 = arith.extui %ge3A_79 : i1 to i32
        %cond3A_81 = arith.constant 0 : i32
        %cond3A_82 = arith.cmpi ne, %convert_element_type3A_80, %cond3A_81 : i32
        scf.if %cond3A_82 {
          %dma_wait3A_90 = arith.constant 0 : i32
          %dma_wait3A_91 = arith.constant 0 : i32
          %dma_wait3A_92 = tpu.memref_slice %arg4[%mul3A_2, %dma_wait3A_90, %dma_wait3A_91] : memref<106496x26x16xf32, #tpu.memory_space<hbm>> -> memref<128x26x16xf32, #tpu.memory_space<hbm>>
          %dma_wait3A_93 = arith.constant 0 : i32
          %dma_wait3A_94 = arith.constant 0 : i32
          %dma_wait3A_95 = tpu.memref_slice %arg4[%mul3A_2, %dma_wait3A_93, %dma_wait3A_94] : memref<106496x26x16xf32, #tpu.memory_space<hbm>> -> memref<128x26x16xf32, #tpu.memory_space<hbm>>
          tpu.wait_dma2 semaphore(%arg11 : memref<!tpu.dma_semaphore, #tpu.memory_space<semaphore_mem>>) src(%arg7 : memref<128x26x16xf32, #tpu.memory_space<vmem>>) dst(%dma_wait3A_95 : memref<128x26x16xf32, #tpu.memory_space<hbm>>)
        } else {
        }
        %dma_start3A_83 = arith.constant 0 : i32
        %dma_start3A_84 = tpu.memref_slice %arg5[%add3A_33, %dma_start3A_83] : memref<26x128xi32, #tpu.memory_space<vmem>> -> memref<1x128xi32, #tpu.memory_space<vmem>>
        %dma_start3A_85 = tpu.memref_squeeze %dma_start3A_84 : memref<1x128xi32, #tpu.memory_space<vmem>> -> memref<128xi32, #tpu.memory_space<vmem>>
        %dma_start3A_86 = arith.constant 0 : i32
        %dma_start3A_87 = arith.constant 0 : i32
        %dma_start3A_88 = arith.constant 0 : i32
        %dma_start3A_89 = tpu.memref_slice %arg2[%dma_start3A_86, %dma_start3A_87, %dma_start3A_88] : memref<100000x26x16xf32, #tpu.memory_space<hbm>> -> memref<100000x26x16xf32, #tpu.memory_space<hbm>>
        tpu.enqueue_indirect_dma source(%dma_start3A_89 : memref<100000x26x16xf32, #tpu.memory_space<hbm>>) target(%arg7 : memref<128x26x16xf32, #tpu.memory_space<vmem>>) offsets(%dma_start3A_85 : memref<128xi32, #tpu.memory_space<vmem>>) semaphore(%arg9 : memref<!tpu.dma_semaphore, #tpu.memory_space<semaphore_mem>>)
      } else {
      }
      %dma_wait3A_36 = arith.constant 0 : i32
      %dma_wait3A_37 = arith.constant 0 : i32
      %dma_wait3A_38 = tpu.memref_slice %arg5[%dma_wait3A_36, %dma_wait3A_37] : memref<26x128xi32, #tpu.memory_space<vmem>> -> memref<1x128xi32, #tpu.memory_space<vmem>>
      %dma_wait3A_39 = tpu.memref_squeeze %dma_wait3A_38 : memref<1x128xi32, #tpu.memory_space<vmem>> -> memref<128xi32, #tpu.memory_space<vmem>>
      %dma_wait3A_40 = arith.constant 0 : i32
      %dma_wait3A_41 = arith.constant 0 : i32
      %dma_wait3A_42 = arith.constant 0 : i32
      %dma_wait3A_43 = tpu.memref_slice %arg2[%dma_wait3A_40, %dma_wait3A_41, %dma_wait3A_42] : memref<100000x26x16xf32, #tpu.memory_space<hbm>> -> memref<100000x26x16xf32, #tpu.memory_space<hbm>>
      tpu.wait_indirect_dma semaphore(%arg8 : memref<!tpu.dma_semaphore, #tpu.memory_space<semaphore_mem>>) src(%dma_wait3A_43 : memref<100000x26x16xf32, #tpu.memory_space<hbm>>) dst(%arg6 : memref<128x26x16xf32, #tpu.memory_space<vmem>>)
      %mul3A_44 = arith.constant 128 : i32
      %mul3A_45 = arith.muli %add3A_31, %mul3A_44 : i32
      %add3A_46 = arith.addi %mul3A_2, %mul3A_45 : i32
      %dma_start3A_47 = arith.constant 0 : i32
      %dma_start3A_48 = arith.constant 0 : i32
      %dma_start3A_49 = tpu.memref_slice %arg4[%add3A_46, %dma_start3A_47, %dma_start3A_48] : memref<106496x26x16xf32, #tpu.memory_space<hbm>> -> memref<128x26x16xf32, #tpu.memory_space<hbm>>
      %dma_start3A_50 = arith.constant 0 : i32
      %dma_start3A_51 = arith.constant 0 : i32
      %dma_start3A_52 = tpu.memref_slice %arg4[%add3A_46, %dma_start3A_50, %dma_start3A_51] : memref<106496x26x16xf32, #tpu.memory_space<hbm>> -> memref<128x26x16xf32, #tpu.memory_space<hbm>>
      tpu.enqueue_dma source(%arg6 : memref<128x26x16xf32, #tpu.memory_space<vmem>>) target(%dma_start3A_52 : memref<128x26x16xf32, #tpu.memory_space<hbm>>) target_semaphore(%arg10 : memref<!tpu.dma_semaphore, #tpu.memory_space<semaphore_mem>>)
      %add3A_53 = arith.constant 1 : i32
      %add3A_54 = arith.addi %add3A_29, %add3A_53 : i32
      %add3A_55 = arith.constant 1 : i32
      %add3A_56 = arith.addi %add3A_54, %add3A_55 : i32
      %lt3A_57 = arith.constant 26 : i32
      %lt3A_58 = arith.cmpi slt, %add3A_56, %lt3A_57 : i32
      %convert_element_type3A_59 = arith.extui %lt3A_58 : i1 to i32
      %cond3A_60 = arith.constant 0 : i32
      %cond3A_61 = arith.cmpi ne, %convert_element_type3A_59, %cond3A_60 : i32
      scf.if %cond3A_61 {
        %ge3A = arith.constant 2 : i32
        %ge3A_79 = arith.cmpi sge, %add3A_56, %ge3A : i32
        %convert_element_type3A_80 = arith.extui %ge3A_79 : i1 to i32
        %cond3A_81 = arith.constant 0 : i32
        %cond3A_82 = arith.cmpi ne, %convert_element_type3A_80, %cond3A_81 : i32
        scf.if %cond3A_82 {
          %dma_wait3A_90 = arith.constant 0 : i32
          %dma_wait3A_91 = arith.constant 0 : i32
          %dma_wait3A_92 = tpu.memref_slice %arg4[%mul3A_2, %dma_wait3A_90, %dma_wait3A_91] : memref<106496x26x16xf32, #tpu.memory_space<hbm>> -> memref<128x26x16xf32, #tpu.memory_space<hbm>>
          %dma_wait3A_93 = arith.constant 0 : i32
          %dma_wait3A_94 = arith.constant 0 : i32
          %dma_wait3A_95 = tpu.memref_slice %arg4[%mul3A_2, %dma_wait3A_93, %dma_wait3A_94] : memref<106496x26x16xf32, #tpu.memory_space<hbm>> -> memref<128x26x16xf32, #tpu.memory_space<hbm>>
          tpu.wait_dma2 semaphore(%arg10 : memref<!tpu.dma_semaphore, #tpu.memory_space<semaphore_mem>>) src(%arg6 : memref<128x26x16xf32, #tpu.memory_space<vmem>>) dst(%dma_wait3A_95 : memref<128x26x16xf32, #tpu.memory_space<hbm>>)
        } else {
        }
        %dma_start3A_83 = arith.constant 0 : i32
        %dma_start3A_84 = tpu.memref_slice %arg5[%add3A_56, %dma_start3A_83] : memref<26x128xi32, #tpu.memory_space<vmem>> -> memref<1x128xi32, #tpu.memory_space<vmem>>
        %dma_start3A_85 = tpu.memref_squeeze %dma_start3A_84 : memref<1x128xi32, #tpu.memory_space<vmem>> -> memref<128xi32, #tpu.memory_space<vmem>>
        %dma_start3A_86 = arith.constant 0 : i32
        %dma_start3A_87 = arith.constant 0 : i32
        %dma_start3A_88 = arith.constant 0 : i32
        %dma_start3A_89 = tpu.memref_slice %arg2[%dma_start3A_86, %dma_start3A_87, %dma_start3A_88] : memref<100000x26x16xf32, #tpu.memory_space<hbm>> -> memref<100000x26x16xf32, #tpu.memory_space<hbm>>
        tpu.enqueue_indirect_dma source(%dma_start3A_89 : memref<100000x26x16xf32, #tpu.memory_space<hbm>>) target(%arg6 : memref<128x26x16xf32, #tpu.memory_space<vmem>>) offsets(%dma_start3A_85 : memref<128xi32, #tpu.memory_space<vmem>>) semaphore(%arg8 : memref<!tpu.dma_semaphore, #tpu.memory_space<semaphore_mem>>)
      } else {
      }
      %dma_wait3A_62 = arith.constant 0 : i32
      %dma_wait3A_63 = arith.constant 0 : i32
      %dma_wait3A_64 = tpu.memref_slice %arg5[%dma_wait3A_62, %dma_wait3A_63] : memref<26x128xi32, #tpu.memory_space<vmem>> -> memref<1x128xi32, #tpu.memory_space<vmem>>
      %dma_wait3A_65 = tpu.memref_squeeze %dma_wait3A_64 : memref<1x128xi32, #tpu.memory_space<vmem>> -> memref<128xi32, #tpu.memory_space<vmem>>
      %dma_wait3A_66 = arith.constant 0 : i32
      %dma_wait3A_67 = arith.constant 0 : i32
      %dma_wait3A_68 = arith.constant 0 : i32
      %dma_wait3A_69 = tpu.memref_slice %arg2[%dma_wait3A_66, %dma_wait3A_67, %dma_wait3A_68] : memref<100000x26x16xf32, #tpu.memory_space<hbm>> -> memref<100000x26x16xf32, #tpu.memory_space<hbm>>
      tpu.wait_indirect_dma semaphore(%arg9 : memref<!tpu.dma_semaphore, #tpu.memory_space<semaphore_mem>>) src(%dma_wait3A_69 : memref<100000x26x16xf32, #tpu.memory_space<hbm>>) dst(%arg7 : memref<128x26x16xf32, #tpu.memory_space<vmem>>)
      %mul3A_70 = arith.constant 128 : i32
      %mul3A_71 = arith.muli %add3A_54, %mul3A_70 : i32
      %add3A_72 = arith.addi %mul3A_2, %mul3A_71 : i32
      %dma_start3A_73 = arith.constant 0 : i32
      %dma_start3A_74 = arith.constant 0 : i32
      %dma_start3A_75 = tpu.memref_slice %arg4[%add3A_72, %dma_start3A_73, %dma_start3A_74] : memref<106496x26x16xf32, #tpu.memory_space<hbm>> -> memref<128x26x16xf32, #tpu.memory_space<hbm>>
      %dma_start3A_76 = arith.constant 0 : i32
      %dma_start3A_77 = arith.constant 0 : i32
      %dma_start3A_78 = tpu.memref_slice %arg4[%add3A_72, %dma_start3A_76, %dma_start3A_77] : memref<106496x26x16xf32, #tpu.memory_space<hbm>> -> memref<128x26x16xf32, #tpu.memory_space<hbm>>
      tpu.enqueue_dma source(%arg7 : memref<128x26x16xf32, #tpu.memory_space<vmem>>) target(%dma_start3A_78 : memref<128x26x16xf32, #tpu.memory_space<hbm>>) target_semaphore(%arg11 : memref<!tpu.dma_semaphore, #tpu.memory_space<semaphore_mem>>)
    }
    %scan3A_13 = arith.constant 13 : i32
    %dma_wait3A = arith.constant 0 : i32
    %dma_wait3A_14 = arith.constant 0 : i32
    %dma_wait3A_15 = tpu.memref_slice %arg4[%mul3A_2, %dma_wait3A, %dma_wait3A_14] : memref<106496x26x16xf32, #tpu.memory_space<hbm>> -> memref<128x26x16xf32, #tpu.memory_space<hbm>>
    %dma_wait3A_16 = arith.constant 0 : i32
    %dma_wait3A_17 = arith.constant 0 : i32
    %dma_wait3A_18 = tpu.memref_slice %arg4[%mul3A_2, %dma_wait3A_16, %dma_wait3A_17] : memref<106496x26x16xf32, #tpu.memory_space<hbm>> -> memref<128x26x16xf32, #tpu.memory_space<hbm>>
    tpu.wait_dma2 semaphore(%arg10 : memref<!tpu.dma_semaphore, #tpu.memory_space<semaphore_mem>>) src(%arg6 : memref<128x26x16xf32, #tpu.memory_space<vmem>>) dst(%dma_wait3A_18 : memref<128x26x16xf32, #tpu.memory_space<hbm>>)
    %dma_wait3A_19 = arith.constant 0 : i32
    %dma_wait3A_20 = arith.constant 0 : i32
    %dma_wait3A_21 = tpu.memref_slice %arg4[%mul3A_2, %dma_wait3A_19, %dma_wait3A_20] : memref<106496x26x16xf32, #tpu.memory_space<hbm>> -> memref<128x26x16xf32, #tpu.memory_space<hbm>>
    %dma_wait3A_22 = arith.constant 0 : i32
    %dma_wait3A_23 = arith.constant 0 : i32
    %dma_wait3A_24 = tpu.memref_slice %arg4[%mul3A_2, %dma_wait3A_22, %dma_wait3A_23] : memref<106496x26x16xf32, #tpu.memory_space<hbm>> -> memref<128x26x16xf32, #tpu.memory_space<hbm>>
    tpu.wait_dma2 semaphore(%arg11 : memref<!tpu.dma_semaphore, #tpu.memory_space<semaphore_mem>>) src(%arg7 : memref<128x26x16xf32, #tpu.memory_space<vmem>>) dst(%dma_wait3A_24 : memref<128x26x16xf32, #tpu.memory_space<hbm>>)
    return
  }
}

</mosaic_0001>

<sc_bundles>
// kernel: _embedding3d.3.cloned.1.call-start
scs
__scs_entry_jumppad:
0x0: {  	(pc) =	sbr.rel $0x88, $3  }
0x1: {  	(tag) =	ssettag $0x0;
	lr =	simm.s32 $0x1  }
0x2: {  	[smem:$0x3F9F] =	sst lr;
	_ =	strace $0xD0000000  }
0x3: {  	_ = 	snop  }
0x4: {  	_ = 	snop  }
0x5: {  	_ = 	snop  }
0x6: {  	_ = 	snop  }
0x7: {  	_ = 	snop  }
__scs_overlays_trampoline_lowered:
0x8: {  	[smem:$0x3FAE] =	sst s0  }
0x9: {  	[smem:$0x3FAF] =	sst s1  }
0xa: {  	[smem:$0x3FB0] =	sst s2  }
0xb: {  	[smem:$0x3FB1] =	sst s3  }
0xc: {  	[smem:$0x3FB2] =	sst s4  }
0xd: {  	[smem:$0x3FB3] =	sst s5  }
0xe: {  	[smem:$0x3FB4] =	sst s6  }
0xf: {  	[smem:$0x3FB5] =	sst s7  }
0x10: {  	[smem:$0x3FB6] =	sst s8  }
0x11: {  	[smem:$0x3FB7] =	sst s9;
	s0 =	simm.s32 @!p0 $0x0  }
0x12: {  	s1 =	sld [smem:$0x3F9D];
	s0 =	simm.s32 @p0 $0x1  }
0x13: {  	[smem:$0x3FB8] =	sst s0;
	s0 =	simm.s32 @!p1 $0x0  }
0x14: {  	s2 =	sld [smem:$0x3F9C];
	s0 =	simm.s32 @p1 $0x1  }
0x15: {  	[smem:$0x3FB9] =	sst s0;
	s0 =	simm.s32 @!p2 $0x0  }
0x16: {  	s3 =	sld [smem:$0x3FDB];
	s0 =	simm.s32 @p2 $0x1  }
0x17: {  	s4 =	simm.s32 $0x1BF5;
	[smem:$0x3FBB] =	sst s0  }
0x18: {  	s0 =	sld [smem:$0x3F9E];
	_ =	swait.ge [sflag:s4], $0x0  }
0x19: {  	s7 =	sld [smem:$0x3F9F]  }
0x1a: {  	s8 =	sadd.s32 $0xFFFFE003, lr  }
0x1b: {  	s9 =	sadd.s32 $0xFFFFFEF7, lr;
	s5 =	simm.s32 $0xFFFFFFFF;
	p2 =	slt.u32 s8, $0xFFFFF086  }
0x1c: {  	p1 =	slt.u32 s9, $0xF7A;
	s5 =	simm.s32 @!p2 $0x0  }
0x1d: {  	s5 =	simm.s32 @p1 $0x1;
	p0 =	seq.s32 s7, s2  }
0x1e: {  	s7 =	smul.u32 @!p0 $0xF7A, s2;
	p2 =	seq.s32 @!p0 s5, $0x0  }
0x1f: {  	s9 =	smul.u32 $0xF7A, s1;
	s8 =	simm.s32 @!p0 $0x1BF5;
	p2 =	por !p2, p0  }
0x20: {  	[sflag:s8] =	ssyncset.s32 @!p0 $0xFFFFF086;
	s6 =	sadd.s32 @!p0 s3, s7;
	s7 =	simm.s32 @!p0 $0x108  }
0x21: {  	s3 =	sadd.s32 s3, s9;
	s6 =	sadd.s32 @!p0 $0x88, s6;
	s7 =	simm.s32 @p2 $0x1082  }
0x22: {  	[simem:s7], [sflag:s8] =	dma.local @!p0 [hbm:s6], $0xF7A  }
0x23: {  	s9 =	sor.u32 $0xD0000000, s2;
	s6 =	simm.s32 $0x108;
	_ =	swait.ge @!p0 [sflag:s8], $0x0  }
0x24: {  	s3 =	sadd.s32 $0x88, s3;
	s6 =	simm.s32 @!p1 $0x1082;
	[sflag:s4] =	ssyncset.s32 $0xFFFFF086  }
0x25: {  	[simem:s6], [sflag:s4] =	dma.local [hbm:s3], $0xF7A  }
0x26: {  	[smem:$0x3F9F] =	sst s1;
	(tag) =	ssettag s2;
	_ =	strace s9  }
0x27: {  	s1 =	sld [smem:$0x3FAF]  }
0x28: {  	s2 =	sld [smem:$0x3FB0]  }
0x29: {  	s4 =	sld [smem:$0x3FB2]  }
0x2a: {  	p0 =	seq.s32 s5, $0x0;
	s5 =	sld [smem:$0x3FB3]  }
0x2b: {  	s6 =	sld [smem:$0x3FB4]  }
0x2c: {  	s7 =	sld [smem:$0x3FB5]  }
0x2d: {  	s3 =	simm.s32 $0x108;
	s8 =	sld [smem:$0x3FB6]  }
0x2e: {  	s3 =	simm.s32 @!p0 $0x1082;
	s9 =	sld [smem:$0x3FB7]  }
0x2f: {  	lr =	sadd.s32 s0, s3;
	s0 =	sld [smem:$0x3FAE]  }
0x30: {  	s3 =	sld [smem:$0x3FB1]  }
0x31: {  	[smem:$0x3FBA] =	sst s10  }
0x32: {  	s10 =	sld [smem:$0x3FB8];
	_ =	sdelay $0x3  }
0x33: {  	p0 =	seq.s32 s10, $0x1;
	s10 =	sld [smem:$0x3FBA];
	_ =	sdelay $0x3  }
0x34: {  	[smem:$0x3FBA] =	sst s10  }
0x35: {  	s10 =	sld [smem:$0x3FB9];
	_ =	sdelay $0x3  }
0x36: {  	p1 =	seq.s32 s10, $0x1;
	s10 =	sld [smem:$0x3FBA];
	_ =	sdelay $0x3  }
0x37: {  	[smem:$0x3FBA] =	sst s10  }
0x38: {  	s10 =	sld [smem:$0x3FBB]  }
0x39: {  	_ = 	snop;
	(pc) =	sbr.ind lr, $3  }
0x3a: {  	_ = 	snop  }
0x3b: {  	_ = 	snop  }
0x3c: {  	p2 =	seq.s32 s10, $0x1;
	s10 =	sld [smem:$0x3FBA]  }
0x3d: {  	_ =	shalt  }
0x3e: {  	_ =	shalt  }
0x3f: {  	_ =	shalt  }
0x40: {  	_ =	shalt  }
0x41: {  	_ =	shalt  }
0x42: {  	_ =	shalt  }
0x43: {  	_ =	shalt  }
0x44: {  	_ =	shalt  }
0x45: {  	_ =	shalt  }
0x46: {  	_ =	shalt  }
0x47: {  	_ =	shalt  }
0x48: {  	_ =	shalt  }
0x49: {  	_ =	shalt  }
0x4a: {  	_ =	shalt  }
0x4b: {  	_ =	shalt  }
0x4c: {  	_ =	shalt  }
0x4d: {  	_ =	shalt  }
0x4e: {  	_ =	shalt  }
0x4f: {  	_ =	shalt  }
0x50: {  	_ =	shalt  }
0x51: {  	_ =	shalt  }
0x52: {  	_ =	shalt  }
0x53: {  	_ =	shalt  }
0x54: {  	_ =	shalt  }
0x55: {  	_ =	shalt  }
0x56: {  	_ =	shalt  }
0x57: {  	_ =	shalt  }
0x58: {  	_ =	shalt  }
0x59: {  	_ =	shalt  }
0x5a: {  	_ =	shalt  }
0x5b: {  	_ =	shalt  }
0x5c: {  	_ =	shalt  }
0x5d: {  	_ =	shalt  }
0x5e: {  	_ =	shalt  }
0x5f: {  	_ =	shalt  }
0x60: {  	_ =	shalt  }
0x61: {  	_ =	shalt  }
0x62: {  	_ =	shalt  }
0x63: {  	_ =	shalt  }
0x64: {  	_ =	shalt  }
0x65: {  	_ =	shalt  }
0x66: {  	_ =	shalt  }
0x67: {  	_ =	shalt  }
0x68: {  	_ =	shalt  }
0x69: {  	_ =	shalt  }
0x6a: {  	_ =	shalt  }
0x6b: {  	_ =	shalt  }
0x6c: {  	_ =	shalt  }
0x6d: {  	_ =	shalt  }
0x6e: {  	_ =	shalt  }
0x6f: {  	_ =	shalt  }
0x70: {  	_ =	shalt  }
0x71: {  	_ =	shalt  }
0x72: {  	_ =	shalt  }
0x73: {  	_ =	shalt  }
0x74: {  	_ =	shalt  }
0x75: {  	_ =	shalt  }
0x76: {  	_ =	shalt  }
0x77: {  	_ =	shalt  }
0x78: {  	_ =	shalt  }
0x79: {  	_ =	shalt  }
0x7a: {  	_ =	shalt  }
0x7b: {  	_ =	shalt  }
0x7c: {  	_ =	shalt  }
0x7d: {  	_ =	shalt  }
0x7e: {  	_ =	shalt  }
0x7f: {  	_ =	shalt  }
0x80: {  	_ =	shalt  }
0x81: {  	_ =	shalt  }
0x82: {  	_ =	shalt  }
0x83: {  	_ =	shalt  }
0x84: {  	_ =	shalt  }
0x85: {  	_ =	shalt  }
0x86: {  	_ =	shalt  }
0x87: {  	_ =	shalt  }
.Lfunc_end0:
.L_simem_size_0:
called_computation.1_lowered:
.L_overlay_start_0:
0x88: {  	s2 =	sld [smem:$0x3FD9]  }
0x89: {  	s3 =	sld [smem:$0x3FFE];
	_ =	sdelay $0x1  }
0x8a: {  	s1 =	srdreg.scid  }
0x8b: {  	s0 =	sand.u32 $0x1, s1  }
0x8c: {  	s17 =	sshll.u32 s0, $0xA;
	s2 =	sadd.s32 s3, s2  }
0x8d: {  	s2 =	sadd.s32 s2, s17  }
0x8e: {  	[smem:$0x3FC6] =	sst s2  }
0x8f: {  	_ = 	snop  }
0x90: {  	s2 =	sld [smem:$0x3FD0];
	(tm) =	ssettm $0x1  }
0x91: {  	s18 =	sld [smem:$0x3FFB];
	_ =	sdelay $0x3  }
0x92: {  	_ =	strace s18  }
0x93: {  	s3 =	sld [smem:$0x3FFC];
	_ =	sdelay $0x3  }
0x94: {  	_ =	strace s3  }
0x95: {  	s3 =	sld [smem:$0x3FFD];
	_ =	sdelay $0x3  }
0x96: {  	_ =	strace s3  }
0x97: {  	_ =	strace $0x8FFFFFFF  }
0x98: {  	s19 =	sld [smem:$0x3FDB];
	_ =	sdelay $0x1  }
0x99: {  	s4 =	simm.s32 $_scs_section_size  }
0x9a: {  	s5 =	simm.s32 $_size__tile_overlayer_lowered;
	s6 =	simm.s32 $_tile_overlayer_lowered  }
0x9b: {  	s22 =	simm.s32 $0x1BFF;
	s21 =	sshll.u32 s6, $0x1;
	s3 =	sadd.s32 s4, s19  }
0x9c: {  	s7 =	simm.s32 $0x0;
	s20 =	sshll.u32 s5, $0x1;
	s5 =	sadd.s32 s21, s3  }
0x9d: {  	[timem:s7], [sflag:s22] =	dma.local [hbm:s5], s20  }
0x9e: {  	_ =	swait.ge [sflag:s22], s20  }
0x9f: {  	s4 =	ssub.s32 $0x0, s20;
	[sflag:s22] =	ssyncset.done $0x0  }
0xa0: {  	[sflag:s22] =	ssyncadd.s32 s4;
	_ =	sdelay $0x1  }
0xa1: {  	s23 =	simm.s32 $0x1B8B  }
0xa2: {  	_ =	swait.ge [sflag:s23], $0x1  }
0xa3: {  	[sflag:s23] =	ssyncset.done $0x0  }
0xa4: {  	s25 =	simm.s32 $0x1B8E;
	s24 =	sld [smem:$0x3FFE];
	[sflag:s23] =	ssyncadd.s32 $0xFFFFFFFF  }
0xa5: {  	s26 =	simm.s32 $execute0_lowered;
	[smem:$0x3FD2] =	sst s25  }
0xa6: {  	s5 =	sshll.u32 s26, $0x1;
	_ =	strace $0x80000046;
	[dreg:$0x1] =	wrdreg $0xFFFFFFFF  }
0xa7: {  	s28 =	simm.s32 $_size_execute0_lowered;
	s3 =	sadd.s32 s3, s5;
	[dreg:$0x0] =	wrdreg $0x0  }
0xa8: {  	s5 =	sshll.u32 s28, $0x1;
	[dreg:$0x2] =	wrdreg s3  }
0xa9: {  	[dreg:$0x3] =	wrdreg s5  }
0xaa: {  	[dreg:$0x4] =	wrdreg $0xC0  }
0xab: {  	_ =	task [dreg:s7], $0x5FFFF  }
0xac: {  	[dreg:$0x1] =	wrdreg $0xFFFFFFFF  }
0xad: {  	[dreg:$0x0] =	wrdreg $0x60  }
0xae: {  	[dreg:$0x2] =	wrdreg s24  }
0xaf: {  	[dreg:$0x3] =	wrdreg s2  }
0xb0: {  	[dreg:$0x4] =	wrdreg $0x9  }
0xb1: {  	_ =	task.clear_ibuf [dreg:s7], $0x5FFFF;
	_ =	strace $0x90000046  }
0xb2: {  	s29 =	simm.s32 $0x9;
	_ =	strace $0x80000048  }
0xb3: {  	_ =	swait.ge [sflag:s29], $0x1  }
0xb4: {  	[sflag:s29] =	ssyncadd.s32 $0xFFFFFFFF  }
0xb5: {  	_ =	strace $0x90000048  }
0xb6: {  	_ =	sfence  }
0xb7: {  	s30 =	sld [smem:$0x0];
	_ =	sdelay $0x2  }
0xb8: {  	s31 =	sshll.u32 s1, $0xD;
	s1 =	sshrl.u32 s1, $0x2  }
0xb9: {  	s3 =	sand.u32 $0x4000, s31;
	s1 =	sadd.s32 s1, s30  }
0xba: {  	s0 =	sor.u32 s3, s0;
	s1 =	sshll.u32 s1, $0x11  }
0xbb: {  	s0 =	sor.u32 s1, s0  }
0xbc: {  	s0 =	sadd.s32 $0x8F2B, s0  }
0xbd: {  	[sflag:s0] =	ssyncadd.remote.s32 $0x1  }
0xbe: {  	_ =	sfence.sel $0xFFFF  }
0xbf: {  	[dreg:$0x0] =	wrdreg $0xFFFFFFFF;
	(pc) =	sbr.abs _section_cstart, $3  }
0xc0: {  	[dreg:$0x1] =	wrdreg $0xFFFFFFFF  }
0xc1: {  	_ =	task.clear_ibuf [dreg:s7], $0x2FFFF;
	_ =	strace $0x9FFFFFFF  }
0xc2: {  	(tm) =	ssettm $0x7FFFFFFF  }
0xc3: {  	_ =	shalt  }
tec
execute0_lowered:
.L_overlay_start_1:
0x0: {  	(tag) =	ssettag $0x1  }
0x1: {  	s4 =	rddreg [dreg:$0x0];
	s1 =	srdreg.scid  }
0x2: {  	s0 =	stileid.u32;
	s8 =	rddreg [dreg:$0x1];
	s2 =	simm.s32 $0x0  }
0x3: {  	s12 =	simm.s32 $0x80;
	s13 =	simm.s32 $0xD00;
	s14 =	simm.s32 $0xDD00  }
0x4: {  	s15 =	simm.s32 $0x1;
	s16 =	simm.s32 $0x3;
	s17 =	simm.s32 $0x100  }
0x5: {  	s18 =	simm.s32 $0x2;
	s19 =	simm.s32 $0x4;
	s20 =	simm.s32 $0xC80  }
0x6: {  	s21 =	simm.s32 $0x0;
	s6 =	sand.u32 $0x1, s1;
	s1 =	rddreg [dreg:$0x2]  }
0x7: {  	s3 =	sshll.u32 s0, $0x1;
	[smem:$0x7FF] =	sst s2;
	s30 =	smul.u32 $0x54800, s0  }
0x8: {  	s5 =	sor.u32 s6, s3;
	_ =	strace $0x80000047;
	s31 =	smul.u32 $0x2A400, s6  }
0x9: {  	s3 =	sadd.s32 $0x30D7C00, s4;
	s9 =	ssub.s32 $0x2, s6;
	s7 =	smul.u32 $0xD00, s5  }
0xa: {  	s10 =	sshrl.u32 s9, $0x1;
	s5 =	smul.u32 $0x2A400, s5;
	s11 =	sadd.s32 s30, s8  }
0xb: {  	s29 =	ssub.s32 s9, s10;
	s10 =	sadd.s32 s31, s11;
	s11 =	simm.s32 $0x5  }
0xc: {  	s7 =	sshrl.u32 s7, $0x3;
	s5 =	sadd.s32 s8, s5;
	s6 =	smax.u32 s29, $0x1  }
0xd: {  	s10 =	sadd.s32 $0x3400, s10;
	s4 =	sadd.s32 s7, s4;
	s7 =	sadd.s32 $0x1A00, s5  }
0xe: {  	s8 =	sadd.s32 $0x27000, s5;
	s9 =	sadd.s32 $0x28A00, s5;
	s4 =	sadd.s32 $0x800, s4  }
.LBB2_1:
0xf: {  	[tilespmem:s2], [sflag:$0x5] =	stream.linear.gather [hbm4b:s4+s2], $0xD00, $0x38;
	[tilespmem:$0x1AD00] =	vst v63  }
0x10: {  	_ =	swait.ge [sflag:s11], $0xD00  }
0x11: {  	[sflag:s11] =	ssyncset.done $0x0  }
0x12: {  	[sflag:s11] =	ssyncadd.s32 $0xFFFFF300  }
0x13: {  	[tilespmem:s13], [sflag:$0x1] =	stream.indirect.gather [hbm4b:s3+s12], $0x1A0, s2, s12, $0xb8;
	[tilespmem:$0x1AD00] =	vst v63  }
0x14: {  	_ = 	snop  }
0x15: {  	[tilespmem:s14], [sflag:$0x2] =	stream.indirect.gather [hbm4b:s3+s12], $0x1A0, s12, s12, $0xb8;
	[tilespmem:$0x1AD00] =	vst v63  }
0x16: {  	_ =	swait.ge [sflag:s15], $0xD000  }
0x17: {  	[sflag:s15] =	ssyncset.done $0x0  }
0x18: {  	[sflag:s15] =	ssyncadd.s32 $0xFFFF3000  }
0x19: {  	[hbm4b:s5+s2] =	stream.linear.scatter [tilespmem:s13], [sflag:$0x3], $0xD000, $0x38;
	[tilespmem:$0x1AD00] =	vst v63  }
0x1a: {  	_ =	swait.ge [sflag:s16], $0xD000  }
0x1b: {  	[sflag:s16] =	ssyncset.done $0x0  }
0x1c: {  	[sflag:s16] =	ssyncadd.s32 $0xFFFF3000  }
0x1d: {  	[tilespmem:s13], [sflag:$0x1] =	stream.indirect.gather [hbm4b:s3+s12], $0x1A0, s17, s12, $0xb8;
	[tilespmem:$0x1AD00] =	vst v63  }
0x1e: {  	_ =	swait.ge [sflag:s18], $0xD000  }
0x1f: {  	[sflag:s18] =	ssyncset.done $0x0  }
0x20: {  	[sflag:s18] =	ssyncadd.s32 $0xFFFF3000  }
0x21: {  	[hbm4b:s7+s2] =	stream.linear.scatter [tilespmem:s14], [sflag:$0x4], $0xD000, $0x38;
	[tilespmem:$0x1AD00] =	vst v63  }
0x22: {  	_ =	swait.ge [sflag:s19], $0xD000  }
0x23: {  	[sflag:s19] =	ssyncset.done $0x0  }
0x24: {  	s22 =	simm.s32 $0x180;
	[sflag:s19] =	ssyncadd.s32 $0xFFFF3000  }
0x25: {  	[tilespmem:s14], [sflag:$0x2] =	stream.indirect.gather [hbm4b:s3+s12], $0x1A0, s22, s12, $0xb8;
	[tilespmem:$0x1AD00] =	vst v63  }
0x26: {  	_ =	swait.ge [sflag:s15], $0xD000  }
0x27: {  	[sflag:s15] =	ssyncset.done $0x0  }
0x28: {  	[sflag:s15] =	ssyncadd.s32 $0xFFFF3000  }
0x29: {  	[hbm4b:s10+s2] =	stream.linear.scatter [tilespmem:s13], [sflag:$0x3], $0xD000, $0x38;
	[tilespmem:$0x1AD00] =	vst v63  }
0x2a: {  	_ =	swait.ge [sflag:s16], $0xD000  }
0x2b: {  	[sflag:s16] =	ssyncset.done $0x0  }
0x2c: {  	s31 =	simm.s32 $0x200;
	[sflag:s16] =	ssyncadd.s32 $0xFFFF3000  }
0x2d: {  	[tilespmem:s13], [sflag:$0x1] =	stream.indirect.gather [hbm4b:s3+s12], $0x1A0, s31, s12, $0xb8;
	[tilespmem:$0x1AD00] =	vst v63  }
0x2e: {  	_ =	swait.ge [sflag:s18], $0xD000  }
0x2f: {  	s24 =	sadd.s32 $0x1A00, s10;
	[sflag:s18] =	ssyncset.done $0x0  }
0x30: {  	s23 =	sadd.s32 $0x3400, s10;
	s22 =	simm.s32 $0x400;
	[sflag:s18] =	ssyncadd.s32 $0xFFFF3000  }
.LBB2_2:
0x31: {  	[hbm4b:s24+s2] =	stream.linear.scatter [tilespmem:s14], [sflag:$0x4], $0xD000, $0x38;
	[tilespmem:$0x1AD00] =	vst v63  }
0x32: {  	s24 =	smov.u32 s22  }
0x33: {  	p0 =	sne.s32 s22, $0x2800;
	s22 =	sadd.s32 $0x400, s22;
	_ =	swait.ge [sflag:s19], $0xD000  }
0x34: {  	s24 =	sshra.s32 s24, $0x2;
	[sflag:s19] =	ssyncset.done $0x0  }
0x35: {  	s25 =	sadd.s32 $0x180, s24;
	[sflag:s19] =	ssyncadd.s32 $0xFFFF3000  }
0x36: {  	[tilespmem:s14], [sflag:$0x2] =	stream.indirect.gather [hbm4b:s3+s12], $0x1A0, s25, s12, $0xb8;
	[tilespmem:$0x1AD00] =	vst v63  }
0x37: {  	_ =	swait.ge [sflag:s15], $0xD000  }
0x38: {  	[sflag:s15] =	ssyncset.done $0x0  }
0x39: {  	[sflag:s15] =	ssyncadd.s32 $0xFFFF3000  }
0x3a: {  	[hbm4b:s23+s2] =	stream.linear.scatter [tilespmem:s13], [sflag:$0x3], $0xD000, $0x38;
	[tilespmem:$0x1AD00] =	vst v63  }
0x3b: {  	_ =	swait.ge [sflag:s16], $0xD000  }
0x3c: {  	[sflag:s16] =	ssyncset.done $0x0  }
.Ltmp0:
0x3d: {  	s24 =	sadd.s32 $0x200, s24;
	[sflag:s16] =	ssyncadd.s32 $0xFFFF3000;
	(pc) =	sbr.rel @p0 .LBB2_2-.Ltmp0, $4  }
0x3e: {  	[tilespmem:s13], [sflag:$0x1] =	stream.indirect.gather [hbm4b:s3+s12], $0x1A0, s24, s12, $0xb8;
	[tilespmem:$0x1AD00] =	vst v63  }
0x3f: {  	_ =	swait.ge [sflag:s18], $0xD000  }
0x40: {  	[sflag:s18] =	ssyncset.done $0x0  }
0x41: {  	s24 =	sadd.s32 $0x1A00, s23;
	s23 =	sadd.s32 $0x3400, s23;
	[sflag:s18] =	ssyncadd.s32 $0xFFFF3000  }
0x42: {  	[hbm4b:s24+s2] =	stream.linear.scatter [tilespmem:s14], [sflag:$0x4], $0xD000, $0x38;
	[tilespmem:$0x1AD00] =	vst v63  }
0x43: {  	_ =	swait.ge [sflag:s19], $0xD000  }
0x44: {  	[sflag:s19] =	ssyncset.done $0x0  }
0x45: {  	[sflag:s19] =	ssyncadd.s32 $0xFFFF3000  }
0x46: {  	[tilespmem:s14], [sflag:$0x2] =	stream.indirect.gather [hbm4b:s3+s12], $0x1A0, s20, s12, $0xb8;
	[tilespmem:$0x1AD00] =	vst v63  }
0x47: {  	_ =	swait.ge [sflag:s15], $0xD000  }
0x48: {  	[sflag:s15] =	ssyncset.done $0x0  }
0x49: {  	[sflag:s15] =	ssyncadd.s32 $0xFFFF3000  }
0x4a: {  	[hbm4b:s8+s2] =	stream.linear.scatter [tilespmem:s13], [sflag:$0x3], $0xD000, $0x38;
	[tilespmem:$0x1AD00] =	vst v63  }
0x4b: {  	_ =	swait.ge [sflag:s18], $0xD000  }
0x4c: {  	[sflag:s18] =	ssyncset.done $0x0  }
0x4d: {  	s21 =	sadd.s32 $0x1, s21;
	[sflag:s18] =	ssyncadd.s32 $0xFFFF3000  }
0x4e: {  	[hbm4b:s9+s2] =	stream.linear.scatter [tilespmem:s14], [sflag:$0x4], $0xD000, $0x38;
	[tilespmem:$0x1AD00] =	vst v63  }
0x4f: {  	p0 =	sne.s32 s21, s6;
	_ =	swait.ge [sflag:s16], $0xD000  }
.Ltmp1:
0x50: {  	[sflag:s16] =	ssyncset.done $0x0;
	(pc) =	sbr.rel @p0 .LBB2_1-.Ltmp1, $4  }
0x51: {  	[sflag:s16] =	ssyncadd.s32 $0xFFFF3000  }
0x52: {  	_ =	swait.ge [sflag:s19], $0xD000  }
0x53: {  	[sflag:s19] =	ssyncset.done $0x0  }
0x54: {  	[sflag:s19] =	ssyncadd.s32 $0xFFFF3000  }
0x55: {  	_ =	sfence.sel $0x180000  }
0x56: {  	[bflag:$0x0] =	sbarrier.arrive $0xFFFF  }
0x57: {  	p0 =	sne.s32 s0, $0x0;
	_ =	strace $0x90000047  }
0x58: {  	s0 =	sadd.s32 @!p0 $0x100000, s1;
	[bflag:$0x2] =	sbarrier.arrive $0xFFFF  }
0x59: {  	[sflag:s0] =	ssyncadd.tile.s32 @!p0 $0x1;
	_ =	shalt  }
.Lfunc_end2:
_tile_overlayer_lowered:
.L_overlay_start_2:
0x5a: {  	(tag) =	ssettag $0x2  }
0x5b: {  	s0 =	rddreg [dreg:$0x0];
	s2 =	stileid.u32  }
0x5c: {  	s1 =	rddreg [dreg:$0x1];
	p0 =	sne.s32 s2, $0x0  }
0x5d: {  	s3 =	rddreg [dreg:$0x2];
	[bflag:$0x3] =	sbarrier.arrive $0xFFFF;
	s2 =	simm.s32 @!p0 $0x1C05  }
0x5e: {  	[timem:s3], [sflag:s2] =	dma.local @!p0 [hbm:s0], s1  }
0x5f: {  	s0 =	simm.s32 @!p0 $0x5  }
0x60: {  	_ =	swait.ge @!p0 [sflag:s0], s1  }
0x61: {  	s1 =	ssub.s32 @!p0 $0x0, s1;
	[sflag:s0] =	ssyncset.done @!p0 $0x0  }
0x62: {  	[sflag:s0] =	ssyncadd.s32 @!p0 s1  }
0x63: {  	[bflag:$0x3] =	sbarrier.arrive $0xFFFF  }
0x64: {  	_ =	shalt  }

// kernel: sparse-core-data-format-call.cloned.1.call-start
scs
called_computation_lowered:
.L_overlay_start_0:
0x0: {  	s2 =	sld [smem:$0x3FD9]  }
0x1: {  	s3 =	sld [smem:$0x3FFE];
	_ =	sdelay $0x1  }
0x2: {  	s1 =	srdreg.scid  }
0x3: {  	s0 =	sand.u32 $0x1, s1  }
0x4: {  	s18 =	sshll.u32 s0, $0xA;
	s2 =	sadd.s32 s3, s2  }
0x5: {  	s2 =	sadd.s32 s2, s18  }
0x6: {  	[smem:$0x3FC6] =	sst s2  }
0x7: {  	_ = 	snop  }
0x8: {  	s2 =	sld [smem:$0x3FD0];
	(tm) =	ssettm $0x1  }
0x9: {  	s19 =	sld [smem:$0x3FFB];
	_ =	sdelay $0x3  }
0xa: {  	_ =	strace s19  }
0xb: {  	s3 =	sld [smem:$0x3FFC];
	_ =	sdelay $0x3  }
0xc: {  	_ =	strace s3  }
0xd: {  	s3 =	sld [smem:$0x3FFD];
	_ =	sdelay $0x3  }
0xe: {  	_ =	strace s3  }
0xf: {  	_ =	strace $0x8FFFFFFF  }
0x10: {  	s20 =	sld [smem:$0x3FDB];
	_ =	sdelay $0x1  }
0x11: {  	s4 =	simm.s32 $_scs_section_size  }
0x12: {  	s5 =	simm.s32 $_size__tile_overlayer_lowered;
	s6 =	simm.s32 $_tile_overlayer_lowered  }
0x13: {  	s23 =	simm.s32 $0x1BFF;
	s22 =	sshll.u32 s6, $0x1;
	s3 =	sadd.s32 s4, s20  }
0x14: {  	s7 =	simm.s32 $0x0;
	s21 =	sshll.u32 s5, $0x1;
	s5 =	sadd.s32 s22, s3  }
0x15: {  	[timem:s7], [sflag:s23] =	dma.local [hbm:s5], s21  }
0x16: {  	_ =	swait.ge [sflag:s23], s21  }
0x17: {  	s4 =	ssub.s32 $0x0, s21;
	[sflag:s23] =	ssyncset.done $0x0  }
0x18: {  	[sflag:s23] =	ssyncadd.s32 s4;
	_ =	sdelay $0x1  }
0x19: {  	s24 =	simm.s32 $0x1B8B  }
0x1a: {  	_ =	swait.ge [sflag:s24], $0x1  }
0x1b: {  	[sflag:s24] =	ssyncset.done $0x0  }
0x1c: {  	s26 =	simm.s32 $0x1B8E;
	s25 =	sld [smem:$0x3FFE];
	[sflag:s24] =	ssyncadd.s32 $0xFFFFFFFF  }
0x1d: {  	s27 =	simm.s32 $execute0_lowered;
	[smem:$0x3FD2] =	sst s26  }
0x1e: {  	s5 =	sshll.u32 s27, $0x1;
	_ =	strace $0x80000049;
	[dreg:$0x1] =	wrdreg $0xFFFFFFFF  }
0x1f: {  	s28 =	simm.s32 $_size_execute0_lowered;
	s3 =	sadd.s32 s3, s5;
	[dreg:$0x0] =	wrdreg $0x0  }
0x20: {  	s5 =	sshll.u32 s28, $0x1;
	[dreg:$0x2] =	wrdreg s3  }
0x21: {  	[dreg:$0x3] =	wrdreg s5  }
0x22: {  	[dreg:$0x4] =	wrdreg $0xC0  }
0x23: {  	_ =	task [dreg:s7], $0x5FFFF  }
0x24: {  	[dreg:$0x1] =	wrdreg $0xFFFFFFFF  }
0x25: {  	[dreg:$0x0] =	wrdreg $0x60  }
0x26: {  	[dreg:$0x2] =	wrdreg s25  }
0x27: {  	[dreg:$0x3] =	wrdreg s2  }
0x28: {  	[dreg:$0x4] =	wrdreg $0x9  }
0x29: {  	_ =	task.clear_ibuf [dreg:s7], $0x5FFFF;
	_ =	strace $0x90000049  }
0x2a: {  	s29 =	simm.s32 $0x9;
	_ =	strace $0x8000004B  }
0x2b: {  	_ =	swait.ge [sflag:s29], $0x1  }
0x2c: {  	[sflag:s29] =	ssyncadd.s32 $0xFFFFFFFF  }
0x2d: {  	_ =	strace $0x9000004B  }
0x2e: {  	_ =	sfence  }
0x2f: {  	s30 =	sld [smem:$0x0];
	_ =	sdelay $0x2  }
0x30: {  	s31 =	sshll.u32 s1, $0xD;
	s1 =	sshrl.u32 s1, $0x2  }
0x31: {  	s3 =	sand.u32 $0x4000, s31;
	s1 =	sadd.s32 s1, s30  }
0x32: {  	s0 =	sor.u32 s3, s0;
	s1 =	sshll.u32 s1, $0x11  }
0x33: {  	s0 =	sor.u32 s1, s0  }
0x34: {  	s0 =	sadd.s32 $0x8F2B, s0  }
0x35: {  	[sflag:s0] =	ssyncadd.remote.s32 $0x1  }
0x36: {  	_ =	sfence.sel $0xFFFF  }
0x37: {  	[dreg:$0x0] =	wrdreg $0xFFFFFFFF;
	(pc) =	sbr.abs _section_cstart, $3  }
0x38: {  	[dreg:$0x1] =	wrdreg $0xFFFFFFFF  }
0x39: {  	_ =	task.clear_ibuf [dreg:s7], $0x2FFFF;
	_ =	strace $0x9FFFFFFF  }
0x3a: {  	(tm) =	ssettm $0x7FFFFFFF  }
0x3b: {  	_ =	shalt  }
tec
execute0_lowered:
.L_overlay_start_1:
0x0: {  	(tag) =	ssettag $0x1  }
0x1: {  	s0 =	srdreg.scid  }
0x2: {  	s1 =	sshll.u32 s0, $0x4  }
0x3: {  	s0 =	stileid.u32;
	s1 =	sand.u32 $0x10, s1  }
0x4: {  	s1 =	sor.u32 s0, s1  }
0x5: {  	s6 =	rddreg [dreg:$0x0];
	s4 =	simm.s32 $0x1;
	s2 =	sshll.u32 s1, $0x7  }
0x6: {  	s7 =	simm.s32 $0x2;
	s12 =	simm.s32 $0x0;
	s1 =	ssub.s32 $0x1A000, s2  }
0x7: {  	s8 =	simm.s32 $0xD0000;
	s13 =	simm.s32 $0x0;
	s3 =	sand.u32 $0xF80, s1  }
0x8: {  	s9 =	simm.s32 $0x0;
	s5 =	sshrl.u32 s1, $0xC;
	p0 =	sne.s32 s3, $0x0  }
.Ltmp0:
0x9: {  	s1 =	rddreg [dreg:$0x2];
	s4 =	simm.s32 @!p0 $0x0;
	(pc) =	sbr.rel .LBB1_1-.Ltmp0, $4  }
0xa: {  	s11 =	simm.s32 $0x0;
	s3 =	rddreg [dreg:$0x1];
	s5 =	sadd.s32 s4, s5  }
0xb: {  	_ =	strace $0x8000004A;
	s4 =	simm.s32 $0x1;
	s5 =	smul.u32 $0x1A, s5  }
0xc: {  	s6 =	sadd.s32 $0x800, s6;
	s10 =	smov.u32 s2;
	[sflag:s4] =	ssyncpa.u1 $0x0  }
0xd: {  	p0 =	por $0x0, $0x0;
	[sflag:s7] =	ssyncpa.u1 $0x0;
	s7 =	sor.u32 $0x1, s5  }
.LBB1_4:
0xe: {  	s16 =	sshll.u32 s13, $0x3  }
0xf: {  	s29 =	sand.u32 $0x7F, s13;
	s17 =	sand.u32 $0xFFFFFC00, s16  }
0x10: {  	s13 =	sor.u32 s29, s17  }
0x11: {  	s17 =	smulhi.u32 $0x4EC4EC4F, s13  }
0x12: {  	s16 =	smulhi.u32 $0x4EC4EC4F, s16  }
0x13: {  	s17 =	sshrl.u32 s17, $0xF  }
0x14: {  	s16 =	sshrl.u32 s16, $0xF;
	s17 =	smul.u32 $0x1A000, s17  }
0x15: {  	s12 =	smul.u32 $0x34000, s12;
	s16 =	sand.u32 $0xF, s16  }
0x16: {  	s16 =	smul.u32 $0x3400, s16;
	s13 =	ssub.s32 s13, s17  }
0x17: {  	s12 =	sadd.s32 s3, s12;
	s17 =	sand.u32 $0x7, s13  }
0x18: {  	s12 =	sadd.s32 s16, s12;
	s13 =	sshrl.u32 s13, $0x3;
	s30 =	sshll.u32 s17, $0x12  }
0x19: {  	[tilespmem:s15+$0x0 ss:$0x81] =	vst.msk $0xffff, v0;
	s12 =	sadd.s32 s13, s12;
	s31 =	sor.u32 $0x400, s30  }
0x1a: {  	[hbm4b:s12+s31] =	stream.strided.scatter [tilespmem:s14], [sflag:$0x2], $0x800, s8, s31, $0x20;
	[tilespmem:$0x2020] =	vst v63  }
.LBB1_5:
0x1b: {  	s14 =	sadd.s32 $0x1, s9  }
0x1c: {  	s12 =	sadd.s32 $0x1000, s10;
	s16 =	smov.u32 s10;
	p2 =	sgt.s32 s14, $0x19  }
0x1d: {  	s16 =	smov.u32 @p2 s12  }
0x1e: {  	s14 =	simm.s32 @p2 $0x0;
	p2 =	sgt.s32 s16, $0x19FFF  }
0x1f: {  	s16 =	smov.u32 @p2 s2;
	p2 =	sne.s32 s11, s7  }
.Ltmp1:
0x20: {  	p1 =	slt.u32 s11, $0x2;
	(pc) =	sbr.rel @!p2 .LBB1_6-.Ltmp1, $4  }
0x21: {  	s15 =	simm.s32 @!p1 $0x2  }
0x22: {  	s13 =	smov.u32 s10;
	p0 =	por !p0, !p0;
	_ =	swait.ge @!p1 [sflag:s15], $0x800  }
0x23: {  	s12 =	smov.u32 s9;
	[sflag:s15] =	ssyncset.done @!p1 $0x0;
	s9 =	smov.u32 s14  }
0x24: {  	s11 =	sadd.s32 $0x1, s11;
	[sflag:s15] =	ssyncadd.s32 @!p1 $0xFFFFF800;
	s10 =	smov.u32 s16  }
.LBB1_1:
0x25: {  	p1 =	sge.u32 s11, s5  }
0x26: {  	s31 =	sadd.s32 $0xFFFFFFFF, s11;
	s14 =	sxor.u32 @!p1 $0xFFFFFFFF, s11  }
0x27: {  	s15 =	sshll.u32 @!p1 s10, $0x9;
	s16 =	sshll.u32 @!p1 s9, $0x4;
	s17 =	simm.s32 @!p1 $0x1000  }
0x28: {  	s14 =	sshll.u32 @!p1 s14, $0xB;
	s16 =	sand.u32 @!p1 $0x1F0, s16;
	s15 =	sadd.s32 @!p1 s6, s15  }
0x29: {  	s14 =	sand.u32 @!p1 $0x800, s14;
	s15 =	sadd.s32 @!p1 s16, s15;
	s16 =	simm.s32 @!p1 $0x10  }
0x2a: {  	[tilespmem:s14], [sflag:$0x1] =	stream.strided.gather @!p1 [hbm4b:s15+s16], $0x800, s17, s16, $0x38;
	[tilespmem:$0x2020] =	vst v63  }
0x2b: {  	p1 =	sge.u32 s31, s5  }
.Ltmp2:
0x2c: {  	_ = 	snop;
	(pc) =	sbr.rel @p1 .LBB1_5-.Ltmp2, $1  }
0x2d: {  	_ =	sdelay $0x3  }
0x2e: {  	s14 =	simm.s32 $0x1  }
0x2f: {  	s14 =	simm.s32 @!p0 $0x0  }
0x30: {  	s15 =	sshll.u32 s14, $0xB  }
0x31: {  	v1 =	vmov s15;
	_ =	sdelay $0x1  }
0x32: {  	_ =	swait.ge [sflag:s4], $0x800  }
0x33: {  	s31 =	sand.u32 $0x1, s11;
	[sflag:s4] =	ssyncset.done $0x0  }
0x34: {  	s17 =	simm.s32 $0x0;
	s14 =	smul.u32 $0x2040, s14;
	[sflag:s4] =	ssyncadd.s32 $0xFFFFF800  }
0x35: {  	s15 =	smul.u32 $0x2040, s31;
	v0 =	vld.idx.msk [tilespmem:v1+s17+$0x0 ss:$0x1], $0xffff;
	_ =	sdelay $0x1  }
0x36: {  	s14 =	sshrl.u32 s14, $0x2;
	s16 =	sshrl.u32 s15, $0x2  }
0x37: {  	s15 =	sor.u32 $0x1000, s14;
	s14 =	sor.u32 $0x1000, s16;
	s16 =	simm.s32 $0x40  }
.LBB1_3:
0x38: {  	s17 =	sshra.s32 s16, $0x2;
	p1 =	sne.s32 s16, $0x1FC0;
	s16 =	sadd.s32 $0x40, s16  }
.Ltmp3:
0x39: {  	[tilespmem:s15+$0x0 ss:$0x81] =	vst.msk $0xffff, v0;
	v0 =	vld.idx.msk [tilespmem:v1+s17+$0x0 ss:$0x1], $0xffff;
	(pc) =	sbr.rel @p1 .LBB1_3-.Ltmp3, $2  }
0x3a: {  	_ =	sdelay $0x2  }
0x3b: {  	s15 =	sadd.s32 $0x1, s15  }
.Ltmp4:
0x3c: {  	_ = 	snop;
	(pc) =	sbr.rel .LBB1_4-.Ltmp4, $1  }
0x3d: {  	_ =	sdelay $0x3  }
.LBB1_6:
0x3e: {  	_ =	sfence.sel $0x180000  }
0x3f: {  	s2 =	simm.s32 $0x1;
	[bflag:$0x0] =	sbarrier.arrive $0xFFFF  }
0x40: {  	s31 =	simm.s32 $0x2;
	[sflag:s2] =	ssyncpa.u1 $0x1  }
0x41: {  	[sflag:s31] =	ssyncpa.u1 $0x1  }
0x42: {  	p0 =	sne.s32 s0, $0x0;
	_ =	strace $0x9000004A  }
0x43: {  	s0 =	sadd.s32 @!p0 $0x100000, s1;
	[bflag:$0x2] =	sbarrier.arrive $0xFFFF  }
0x44: {  	[sflag:s0] =	ssyncadd.tile.s32 @!p0 $0x1;
	_ =	shalt  }
.Lfunc_end1:
_tile_overlayer_lowered:
.L_overlay_start_2:
0x45: {  	(tag) =	ssettag $0x2  }
0x46: {  	s0 =	rddreg [dreg:$0x0];
	s2 =	stileid.u32  }
0x47: {  	s1 =	rddreg [dreg:$0x1];
	p0 =	sne.s32 s2, $0x0  }
0x48: {  	s3 =	rddreg [dreg:$0x2];
	[bflag:$0x3] =	sbarrier.arrive $0xFFFF;
	s2 =	simm.s32 @!p0 $0x1C01  }
0x49: {  	[timem:s3], [sflag:s2] =	dma.local @!p0 [hbm:s0], s1  }
0x4a: {  	s0 =	simm.s32 @!p0 $0x1  }
0x4b: {  	_ =	swait.ge @!p0 [sflag:s0], s1  }
0x4c: {  	s1 =	ssub.s32 @!p0 $0x0, s1;
	[sflag:s0] =	ssyncset.done @!p0 $0x0  }
0x4d: {  	[sflag:s0] =	ssyncadd.s32 @!p0 s1  }
0x4e: {  	[bflag:$0x3] =	sbarrier.arrive $0xFFFF  }
0x4f: {  	_ =	shalt  }

</sc_bundles>
